<compile_context>
chip_gen: v7x
topology: tpu7x:2x2x1
jax: 0.10.2.dev20260603
libtpu: 0.0.44.dev20260713+nightly
codegen_flags: <defaults>
</compile_context>

<pallas_src>
import jax
import jax.numpy as jnp
from jax import lax
from jax.experimental import pallas as pl
from jax.experimental.pallas import tpu as pltpu
from jax.experimental.pallas import tpu_sc as plsc

HIDDEN = 128
EPS = 1e-12
NC = 2
NS = 16
NW = NC * NS
CHUNK = 128
DEPTH = 4
BT = 4096
NSLICE = 1


def _sc_gather_body(ids_hbm, wt_hbm, out_hbm, idx_v, b0, b1, b2, b3,
                    g0, g1, g2, g3, o0, o1, o2, o3):
    bufs = (b0, b1, b2, b3)
    gsem = (g0, g1, g2, g3)
    osem = (o0, o1, o2, o3)
    wid = lax.axis_index("s") * NC + lax.axis_index("c")
    n = ids_hbm.shape[0] // NW
    base = wid * n
    pltpu.sync_copy(ids_hbm.at[pl.ds(base, n)], idx_v)

    def out_slice(c):
        return out_hbm.at[pl.ds((base + c) * CHUNK, CHUNK)]

    for b in range(DEPTH):
        pltpu.async_copy(wt_hbm.at[idx_v.at[b]], bufs[b], gsem[b])

    def grp_body(gi, carry):
        for b in range(DEPTH):
            c = gi * DEPTH + b
            pltpu.make_async_copy(
                wt_hbm.at[idx_v.at[c]], bufs[b], gsem[b]).wait()
            pltpu.async_copy(bufs[b], out_slice(c), osem[b])
            nc = c + DEPTH

            @pl.when(nc < n)
            def _():
                pltpu.make_async_copy(bufs[b], out_slice(c), osem[b]).wait()
                pltpu.async_copy(wt_hbm.at[idx_v.at[nc]], bufs[b], gsem[b])
        return carry

    lax.fori_loop(0, n // DEPTH, grp_body, None)

    for b in range(DEPTH):
        c = n - DEPTH + b
        pltpu.make_async_copy(bufs[b], out_slice(c), osem[b]).wait()


def _ln_math(x_ref, s_ref, st_ref, g_ref, bt_ref, o_ref):
    x = x_ref[...]
    s = s_ref[...]
    row0 = st_ref[0:1, :]
    row1 = st_ref[1:2, :]
    e = x + row0 + s * (row1 - row0)
    mean = jnp.mean(e, axis=-1, keepdims=True)
    d = e - mean
    var = jnp.mean(d * d, axis=-1, keepdims=True)
    o_ref[...] = d * lax.rsqrt(var + EPS) * g_ref[...] + bt_ref[...]


def _ln_body(x_ref, s_ref, st_ref, g_ref, bt_ref, o_ref):
    _ln_math(x_ref, s_ref, st_ref, g_ref, bt_ref, o_ref)


def _ln_body_alias(x_ref, s_ref, st_ref, g_ref, bt_ref, prev_ref, o_ref):
    del prev_ref
    _ln_math(x_ref, s_ref, st_ref, g_ref, bt_ref, o_ref)


def kernel(code_ids, seg_ids, word_table, seg_table, ln_gamma, ln_beta):
    B, L = code_ids.shape
    T = B * L
    TS = T // NSLICE
    ids2d = code_ids.reshape(T // CHUNK, CHUNK).astype(jnp.int32)
    seg_f = seg_ids.reshape(T, 1).astype(jnp.float32)
    gamma2 = ln_gamma.reshape(1, HIDDEN)
    beta2 = ln_beta.reshape(1, HIDDEN)

    mesh = plsc.VectorSubcoreMesh(
        core_axis_name="c", subcore_axis_name="s",
        num_cores=NC, num_subcores=NS)
    n_per_w = (TS // CHUNK) // NW
    sc_gather = pl.kernel(
        _sc_gather_body,
        out_type=jax.ShapeDtypeStruct((TS, HIDDEN), jnp.float32),
        mesh=mesh,
        scratch_types=(
            [pltpu.VMEM((n_per_w, CHUNK), jnp.int32)]
            + [pltpu.VMEM((CHUNK, HIDDEN), jnp.float32)] * DEPTH
            + [pltpu.SemaphoreType.DMA] * (2 * DEPTH)
        ),
    )
    gathered = [sc_gather(ids2d[k * (TS // CHUNK):(k + 1) * (TS // CHUNK)],
                          word_table)
                for k in range(NSLICE)]

    nb = TS // BT
    base_specs = [
        pl.BlockSpec((BT, HIDDEN), lambda i: (i, 0)),
        pl.BlockSpec((BT, 1), lambda i: (i, 0)),
        pl.BlockSpec((2, HIDDEN), lambda i: (0, 0)),
        pl.BlockSpec((1, HIDDEN), lambda i: (0, 0)),
        pl.BlockSpec((1, HIDDEN), lambda i: (0, 0)),
    ]
    out = None
    for k in range(NSLICE):
        args = [gathered[k], seg_f[k * TS:(k + 1) * TS], seg_table,
                gamma2, beta2]
        out_spec = pl.BlockSpec(
            (BT, HIDDEN), lambda i, k=k: (i + k * nb, 0))
        if out is None:
            out = pl.pallas_call(
                _ln_body,
                grid=(nb,),
                in_specs=base_specs,
                out_specs=out_spec,
                out_shape=jax.ShapeDtypeStruct((T, HIDDEN), jnp.float32),
            )(*args)
        else:
            out = pl.pallas_call(
                _ln_body_alias,
                grid=(nb,),
                in_specs=base_specs + [pl.BlockSpec(memory_space=pl.ANY)],
                out_specs=out_spec,
                out_shape=jax.ShapeDtypeStruct((T, HIDDEN), jnp.float32),
                input_output_aliases={5: 0},
            )(*args, out)
    return out.reshape(B, L, HIDDEN)

# --- scband reference (transcript-rebuilt; emitter-appended) ---
"""Pipeline reference for scband-bert-embeddings-11991548691286 (READ-ONLY COPY).

The authoritative reference and input builder live on the scoring server;
editing this copy changes nothing except your own understanding.
"""

import jax, jax.numpy as jnp
import numpy as np

VOCAB = 100000
SEG_VOCAB = 2
HIDDEN = 128
B = 4096
L = 200
EPS = 1e-12


def setup_inputs(seed: int = 0) -> dict:
    key = jax.random.key(seed)
    k1, k2, k3, k4 = jax.random.split(key, 4)
    code_ids = jax.random.randint(k1, (B, L), 0, VOCAB, dtype=jnp.int64 if jax.config.jax_enable_x64 else jnp.int32)
    seg_ids = jax.random.randint(k2, (B, L), 0, SEG_VOCAB, dtype=jnp.int64 if jax.config.jax_enable_x64 else jnp.int32)
    word_table = jax.random.normal(k3, (VOCAB, HIDDEN), dtype=jnp.float32) * 0.02
    # padding_idx=0 row zeroed, matching nn.Embedding(padding_idx=0) init
    word_table = word_table.at[0].set(0.0)
    seg_table = jax.random.normal(k4, (SEG_VOCAB, HIDDEN), dtype=jnp.float32) * 0.02
    # note: padding_idx=0 also applies to segment table per module definition
    seg_table = seg_table.at[0].set(0.0)
    ln_gamma = jnp.ones((HIDDEN,), dtype=jnp.float32)
    ln_beta = jnp.zeros((HIDDEN,), dtype=jnp.float32)
    return {
        "code_ids": code_ids,
        "seg_ids": seg_ids,
        "word_table": word_table,
        "seg_table": seg_table,
        "ln_gamma": ln_gamma,
        "ln_beta": ln_beta,
    }


def _layer_norm(x, gamma, beta, eps=EPS):
    mean = jnp.mean(x, axis=-1, keepdims=True)
    var = jnp.mean(jnp.square(x - mean), axis=-1, keepdims=True)
    return (x - mean) / jnp.sqrt(var + eps) * gamma + beta


def reference(code_ids, seg_ids, word_table, seg_table, ln_gamma, ln_beta):
    word_emb = jnp.take(word_table, code_ids, axis=0)
    seg_emb = jnp.take(seg_table, seg_ids, axis=0)
    embeddings = word_emb + seg_emb
    embeddings = _layer_norm(embeddings, ln_gamma, ln_beta)
    # dropout is identity in eval / deterministic reference
    return embeddings

if __name__ == "__main__":
    import jax
    _d = setup_inputs()
    print(jax.jit(kernel)(*tuple(_d.values())))

</pallas_src>

<mosaic_0001>
#map = affine_map<(d0, d1) -> (0, 0)>
module attributes {stable_mosaic.version = 14 : i64} {
  func.func @_sc_gather_body(%arg0: i32, %arg1: i32, %arg2: memref<6400x128xi32, #tpu.memory_space<hbm>>, %arg3: memref<100000x128xf32, #tpu.memory_space<hbm>>, %arg4: memref<819200x128xf32, #tpu.memory_space<hbm>>, %arg5: memref<200x128xi32, #tpu.memory_space<vmem>>, %arg6: memref<128x128xf32, #tpu.memory_space<vmem>>, %arg7: memref<128x128xf32, #tpu.memory_space<vmem>>, %arg8: memref<128x128xf32, #tpu.memory_space<vmem>>, %arg9: memref<128x128xf32, #tpu.memory_space<vmem>>, %arg10: memref<!tpu.dma_semaphore, #tpu.memory_space<semaphore_mem>>, %arg11: memref<!tpu.dma_semaphore, #tpu.memory_space<semaphore_mem>>, %arg12: memref<!tpu.dma_semaphore, #tpu.memory_space<semaphore_mem>>, %arg13: memref<!tpu.dma_semaphore, #tpu.memory_space<semaphore_mem>>, %arg14: memref<!tpu.dma_semaphore, #tpu.memory_space<semaphore_mem>>, %arg15: memref<!tpu.dma_semaphore, #tpu.memory_space<semaphore_mem>>, %arg16: memref<!tpu.dma_semaphore, #tpu.memory_space<semaphore_mem>>, %arg17: memref<!tpu.dma_semaphore, #tpu.memory_space<semaphore_mem>>) attributes {dimension_semantics = [#tpu.dimension_semantics<core_parallel>, #tpu.dimension_semantics<subcore_parallel>], iteration_bounds = array<i64: 2, 16>, scalar_prefetch = 0 : i64, scratch_operands = 13 : i64, tpu.core_type = #tpu.core_type<sc_vector_subcore>, window_params = [{transform_indices = #map}, {transform_indices = #map}, {transform_indices = #map}]} {
    %mul3A = arith.constant 2 : i32
    %mul3A_0 = arith.muli %arg1, %mul3A : i32
    %add3A = arith.addi %mul3A_0, %arg0 : i32
    %mul3A_1 = arith.constant 200 : i32
    %mul3A_2 = arith.muli %add3A, %mul3A_1 : i32
    "tpu.region"() ({
      %run_scoped3A = tpu.sem_alloc : memref<!tpu.dma_semaphore, #tpu.memory_space<semaphore_mem>>
      %dma_start3A_65 = arith.constant 0 : i32
      %dma_start3A_66 = tpu.memref_slice %arg2[%mul3A_2, %dma_start3A_65] : memref<6400x128xi32, #tpu.memory_space<hbm>> -> memref<200x128xi32, #tpu.memory_space<hbm>>
      %dma_start3A_67 = arith.constant 0 : i32
      %dma_start3A_68 = tpu.memref_slice %arg2[%mul3A_2, %dma_start3A_67] : memref<6400x128xi32, #tpu.memory_space<hbm>> -> memref<200x128xi32, #tpu.memory_space<hbm>>
      tpu.enqueue_dma source(%dma_start3A_68 : memref<200x128xi32, #tpu.memory_space<hbm>>) target(%arg5 : memref<200x128xi32, #tpu.memory_space<vmem>>) target_semaphore(%run_scoped3A : memref<!tpu.dma_semaphore, #tpu.memory_space<semaphore_mem>>)
      %dma_wait3A_69 = arith.constant 0 : i32
      %dma_wait3A_70 = tpu.memref_slice %arg2[%mul3A_2, %dma_wait3A_69] : memref<6400x128xi32, #tpu.memory_space<hbm>> -> memref<200x128xi32, #tpu.memory_space<hbm>>
      %dma_wait3A_71 = arith.constant 0 : i32
      %dma_wait3A_72 = tpu.memref_slice %arg2[%mul3A_2, %dma_wait3A_71] : memref<6400x128xi32, #tpu.memory_space<hbm>> -> memref<200x128xi32, #tpu.memory_space<hbm>>
      tpu.wait_dma2 semaphore(%run_scoped3A : memref<!tpu.dma_semaphore, #tpu.memory_space<semaphore_mem>>) src(%dma_wait3A_72 : memref<200x128xi32, #tpu.memory_space<hbm>>) dst(%arg5 : memref<200x128xi32, #tpu.memory_space<vmem>>)
      tpu.yield
    }) : () -> ()
    %dma_start3A = arith.constant 0 : i32
    %dma_start3A_3 = arith.constant 0 : i32
    %dma_start3A_4 = tpu.memref_slice %arg5[%dma_start3A, %dma_start3A_3] : memref<200x128xi32, #tpu.memory_space<vmem>> -> memref<1x128xi32, #tpu.memory_space<vmem>>
    %dma_start3A_5 = tpu.memref_squeeze %dma_start3A_4 : memref<1x128xi32, #tpu.memory_space<vmem>> -> memref<128xi32, #tpu.memory_space<vmem>>
    %dma_start3A_6 = arith.constant 0 : i32
    %dma_start3A_7 = arith.constant 0 : i32
    %dma_start3A_8 = tpu.memref_slice %arg3[%dma_start3A_6, %dma_start3A_7] : memref<100000x128xf32, #tpu.memory_space<hbm>> -> memref<100000x128xf32, #tpu.memory_space<hbm>>
    tpu.enqueue_indirect_dma source(%dma_start3A_8 : memref<100000x128xf32, #tpu.memory_space<hbm>>) target(%arg6 : memref<128x128xf32, #tpu.memory_space<vmem>>) offsets(%dma_start3A_5 : memref<128xi32, #tpu.memory_space<vmem>>) semaphore(%arg10 : memref<!tpu.dma_semaphore, #tpu.memory_space<semaphore_mem>>)
    %dma_start3A_9 = arith.constant 1 : i32
    %dma_start3A_10 = arith.constant 0 : i32
    %dma_start3A_11 = tpu.memref_slice %arg5[%dma_start3A_9, %dma_start3A_10] : memref<200x128xi32, #tpu.memory_space<vmem>> -> memref<1x128xi32, #tpu.memory_space<vmem>>
    %dma_start3A_12 = tpu.memref_squeeze %dma_start3A_11 : memref<1x128xi32, #tpu.memory_space<vmem>> -> memref<128xi32, #tpu.memory_space<vmem>>
    %dma_start3A_13 = arith.constant 0 : i32
    %dma_start3A_14 = arith.constant 0 : i32
    %dma_start3A_15 = tpu.memref_slice %arg3[%dma_start3A_13, %dma_start3A_14] : memref<100000x128xf32, #tpu.memory_space<hbm>> -> memref<100000x128xf32, #tpu.memory_space<hbm>>
    tpu.enqueue_indirect_dma source(%dma_start3A_15 : memref<100000x128xf32, #tpu.memory_space<hbm>>) target(%arg7 : memref<128x128xf32, #tpu.memory_space<vmem>>) offsets(%dma_start3A_12 : memref<128xi32, #tpu.memory_space<vmem>>) semaphore(%arg11 : memref<!tpu.dma_semaphore, #tpu.memory_space<semaphore_mem>>)
    %dma_start3A_16 = arith.constant 2 : i32
    %dma_start3A_17 = arith.constant 0 : i32
    %dma_start3A_18 = tpu.memref_slice %arg5[%dma_start3A_16, %dma_start3A_17] : memref<200x128xi32, #tpu.memory_space<vmem>> -> memref<1x128xi32, #tpu.memory_space<vmem>>
    %dma_start3A_19 = tpu.memref_squeeze %dma_start3A_18 : memref<1x128xi32, #tpu.memory_space<vmem>> -> memref<128xi32, #tpu.memory_space<vmem>>
    %dma_start3A_20 = arith.constant 0 : i32
    %dma_start3A_21 = arith.constant 0 : i32
    %dma_start3A_22 = tpu.memref_slice %arg3[%dma_start3A_20, %dma_start3A_21] : memref<100000x128xf32, #tpu.memory_space<hbm>> -> memref<100000x128xf32, #tpu.memory_space<hbm>>
    tpu.enqueue_indirect_dma source(%dma_start3A_22 : memref<100000x128xf32, #tpu.memory_space<hbm>>) target(%arg8 : memref<128x128xf32, #tpu.memory_space<vmem>>) offsets(%dma_start3A_19 : memref<128xi32, #tpu.memory_space<vmem>>) semaphore(%arg12 : memref<!tpu.dma_semaphore, #tpu.memory_space<semaphore_mem>>)
    %dma_start3A_23 = arith.constant 3 : i32
    %dma_start3A_24 = arith.constant 0 : i32
    %dma_start3A_25 = tpu.memref_slice %arg5[%dma_start3A_23, %dma_start3A_24] : memref<200x128xi32, #tpu.memory_space<vmem>> -> memref<1x128xi32, #tpu.memory_space<vmem>>
    %dma_start3A_26 = tpu.memref_squeeze %dma_start3A_25 : memref<1x128xi32, #tpu.memory_space<vmem>> -> memref<128xi32, #tpu.memory_space<vmem>>
    %dma_start3A_27 = arith.constant 0 : i32
    %dma_start3A_28 = arith.constant 0 : i32
    %dma_start3A_29 = tpu.memref_slice %arg3[%dma_start3A_27, %dma_start3A_28] : memref<100000x128xf32, #tpu.memory_space<hbm>> -> memref<100000x128xf32, #tpu.memory_space<hbm>>
    tpu.enqueue_indirect_dma source(%dma_start3A_29 : memref<100000x128xf32, #tpu.memory_space<hbm>>) target(%arg9 : memref<128x128xf32, #tpu.memory_space<vmem>>) offsets(%dma_start3A_26 : memref<128xi32, #tpu.memory_space<vmem>>) semaphore(%arg13 : memref<!tpu.dma_semaphore, #tpu.memory_space<semaphore_mem>>)
    %scan3A = arith.constant 0 : i32
    %scan3A_30 = arith.constant 50 : i32
    %scan3A_31 = arith.addi %scan3A, %scan3A_30 : i32
    %scan3A_32 = arith.constant 1 : i32
    scf.for %scan3A_65 = %scan3A to %scan3A_31 step %scan3A_32  : i32 {
      %mul3A_66 = arith.constant 4 : i32
      %mul3A_67 = arith.muli %scan3A_65, %mul3A_66 : i32
      %add3A_68 = arith.constant 0 : i32
      %add3A_69 = arith.addi %mul3A_67, %add3A_68 : i32
      %dma_wait3A_70 = arith.constant 0 : i32
      %dma_wait3A_71 = tpu.memref_slice %arg5[%add3A_69, %dma_wait3A_70] : memref<200x128xi32, #tpu.memory_space<vmem>> -> memref<1x128xi32, #tpu.memory_space<vmem>>
      %dma_wait3A_72 = tpu.memref_squeeze %dma_wait3A_71 : memref<1x128xi32, #tpu.memory_space<vmem>> -> memref<128xi32, #tpu.memory_space<vmem>>
      %dma_wait3A_73 = arith.constant 0 : i32
      %dma_wait3A_74 = arith.constant 0 : i32
      %dma_wait3A_75 = tpu.memref_slice %arg3[%dma_wait3A_73, %dma_wait3A_74] : memref<100000x128xf32, #tpu.memory_space<hbm>> -> memref<100000x128xf32, #tpu.memory_space<hbm>>
      tpu.wait_indirect_dma semaphore(%arg10 : memref<!tpu.dma_semaphore, #tpu.memory_space<semaphore_mem>>) src(%dma_wait3A_75 : memref<100000x128xf32, #tpu.memory_space<hbm>>) dst(%arg6 : memref<128x128xf32, #tpu.memory_space<vmem>>)
      %add3A_76 = arith.addi %mul3A_2, %add3A_69 : i32
      %mul3A_77 = arith.constant 128 : i32
      %mul3A_78 = arith.muli %add3A_76, %mul3A_77 : i32
      %dma_start3A_79 = arith.constant 0 : i32
      %dma_start3A_80 = tpu.memref_slice %arg4[%mul3A_78, %dma_start3A_79] : memref<819200x128xf32, #tpu.memory_space<hbm>> -> memref<128x128xf32, #tpu.memory_space<hbm>>
      %dma_start3A_81 = arith.constant 0 : i32
      %dma_start3A_82 = tpu.memref_slice %arg4[%mul3A_78, %dma_start3A_81] : memref<819200x128xf32, #tpu.memory_space<hbm>> -> memref<128x128xf32, #tpu.memory_space<hbm>>
      tpu.enqueue_dma source(%arg6 : memref<128x128xf32, #tpu.memory_space<vmem>>) target(%dma_start3A_82 : memref<128x128xf32, #tpu.memory_space<hbm>>) target_semaphore(%arg14 : memref<!tpu.dma_semaphore, #tpu.memory_space<semaphore_mem>>)
      %add3A_83 = arith.constant 4 : i32
      %add3A_84 = arith.addi %add3A_69, %add3A_83 : i32
      %lt3A = arith.constant 200 : i32
      %lt3A_85 = arith.cmpi slt, %add3A_84, %lt3A : i32
      %convert_element_type3A = arith.extui %lt3A_85 : i1 to i32
      %cond3A = arith.constant 0 : i32
      %cond3A_86 = arith.cmpi ne, %convert_element_type3A, %cond3A : i32
      scf.if %cond3A_86 {
        %add3A_159 = arith.addi %mul3A_2, %add3A_69 : i32
        %mul3A_160 = arith.constant 128 : i32
        %mul3A_161 = arith.muli %add3A_159, %mul3A_160 : i32
        %dma_wait3A_162 = arith.constant 0 : i32
        %dma_wait3A_163 = tpu.memref_slice %arg4[%mul3A_161, %dma_wait3A_162] : memref<819200x128xf32, #tpu.memory_space<hbm>> -> memref<128x128xf32, #tpu.memory_space<hbm>>
        %dma_wait3A_164 = arith.constant 0 : i32
        %dma_wait3A_165 = tpu.memref_slice %arg4[%mul3A_161, %dma_wait3A_164] : memref<819200x128xf32, #tpu.memory_space<hbm>> -> memref<128x128xf32, #tpu.memory_space<hbm>>
        tpu.wait_dma2 semaphore(%arg14 : memref<!tpu.dma_semaphore, #tpu.memory_space<semaphore_mem>>) src(%arg6 : memref<128x128xf32, #tpu.memory_space<vmem>>) dst(%dma_wait3A_165 : memref<128x128xf32, #tpu.memory_space<hbm>>)
        %dma_start3A_166 = arith.constant 0 : i32
        %dma_start3A_167 = tpu.memref_slice %arg5[%add3A_84, %dma_start3A_166] : memref<200x128xi32, #tpu.memory_space<vmem>> -> memref<1x128xi32, #tpu.memory_space<vmem>>
        %dma_start3A_168 = tpu.memref_squeeze %dma_start3A_167 : memref<1x128xi32, #tpu.memory_space<vmem>> -> memref<128xi32, #tpu.memory_space<vmem>>
        %dma_start3A_169 = arith.constant 0 : i32
        %dma_start3A_170 = arith.constant 0 : i32
        %dma_start3A_171 = tpu.memref_slice %arg3[%dma_start3A_169, %dma_start3A_170] : memref<100000x128xf32, #tpu.memory_space<hbm>> -> memref<100000x128xf32, #tpu.memory_space<hbm>>
        tpu.enqueue_indirect_dma source(%dma_start3A_171 : memref<100000x128xf32, #tpu.memory_space<hbm>>) target(%arg6 : memref<128x128xf32, #tpu.memory_space<vmem>>) offsets(%dma_start3A_168 : memref<128xi32, #tpu.memory_space<vmem>>) semaphore(%arg10 : memref<!tpu.dma_semaphore, #tpu.memory_space<semaphore_mem>>)
      } else {
      }
      %mul3A_87 = arith.constant 4 : i32
      %mul3A_88 = arith.muli %scan3A_65, %mul3A_87 : i32
      %add3A_89 = arith.constant 1 : i32
      %add3A_90 = arith.addi %mul3A_88, %add3A_89 : i32
      %dma_wait3A_91 = arith.constant 0 : i32
      %dma_wait3A_92 = tpu.memref_slice %arg5[%add3A_90, %dma_wait3A_91] : memref<200x128xi32, #tpu.memory_space<vmem>> -> memref<1x128xi32, #tpu.memory_space<vmem>>
      %dma_wait3A_93 = tpu.memref_squeeze %dma_wait3A_92 : memref<1x128xi32, #tpu.memory_space<vmem>> -> memref<128xi32, #tpu.memory_space<vmem>>
      %dma_wait3A_94 = arith.constant 0 : i32
      %dma_wait3A_95 = arith.constant 0 : i32
      %dma_wait3A_96 = tpu.memref_slice %arg3[%dma_wait3A_94, %dma_wait3A_95] : memref<100000x128xf32, #tpu.memory_space<hbm>> -> memref<100000x128xf32, #tpu.memory_space<hbm>>
      tpu.wait_indirect_dma semaphore(%arg11 : memref<!tpu.dma_semaphore, #tpu.memory_space<semaphore_mem>>) src(%dma_wait3A_96 : memref<100000x128xf32, #tpu.memory_space<hbm>>) dst(%arg7 : memref<128x128xf32, #tpu.memory_space<vmem>>)
      %add3A_97 = arith.addi %mul3A_2, %add3A_90 : i32
      %mul3A_98 = arith.constant 128 : i32
      %mul3A_99 = arith.muli %add3A_97, %mul3A_98 : i32
      %dma_start3A_100 = arith.constant 0 : i32
      %dma_start3A_101 = tpu.memref_slice %arg4[%mul3A_99, %dma_start3A_100] : memref<819200x128xf32, #tpu.memory_space<hbm>> -> memref<128x128xf32, #tpu.memory_space<hbm>>
      %dma_start3A_102 = arith.constant 0 : i32
      %dma_start3A_103 = tpu.memref_slice %arg4[%mul3A_99, %dma_start3A_102] : memref<819200x128xf32, #tpu.memory_space<hbm>> -> memref<128x128xf32, #tpu.memory_space<hbm>>
      tpu.enqueue_dma source(%arg7 : memref<128x128xf32, #tpu.memory_space<vmem>>) target(%dma_start3A_103 : memref<128x128xf32, #tpu.memory_space<hbm>>) target_semaphore(%arg15 : memref<!tpu.dma_semaphore, #tpu.memory_space<semaphore_mem>>)
      %add3A_104 = arith.constant 4 : i32
      %add3A_105 = arith.addi %add3A_90, %add3A_104 : i32
      %lt3A_106 = arith.constant 200 : i32
      %lt3A_107 = arith.cmpi slt, %add3A_105, %lt3A_106 : i32
      %convert_element_type3A_108 = arith.extui %lt3A_107 : i1 to i32
      %cond3A_109 = arith.constant 0 : i32
      %cond3A_110 = arith.cmpi ne, %convert_element_type3A_108, %cond3A_109 : i32
      scf.if %cond3A_110 {
        %add3A_159 = arith.addi %mul3A_2, %add3A_90 : i32
        %mul3A_160 = arith.constant 128 : i32
        %mul3A_161 = arith.muli %add3A_159, %mul3A_160 : i32
        %dma_wait3A_162 = arith.constant 0 : i32
        %dma_wait3A_163 = tpu.memref_slice %arg4[%mul3A_161, %dma_wait3A_162] : memref<819200x128xf32, #tpu.memory_space<hbm>> -> memref<128x128xf32, #tpu.memory_space<hbm>>
        %dma_wait3A_164 = arith.constant 0 : i32
        %dma_wait3A_165 = tpu.memref_slice %arg4[%mul3A_161, %dma_wait3A_164] : memref<819200x128xf32, #tpu.memory_space<hbm>> -> memref<128x128xf32, #tpu.memory_space<hbm>>
        tpu.wait_dma2 semaphore(%arg15 : memref<!tpu.dma_semaphore, #tpu.memory_space<semaphore_mem>>) src(%arg7 : memref<128x128xf32, #tpu.memory_space<vmem>>) dst(%dma_wait3A_165 : memref<128x128xf32, #tpu.memory_space<hbm>>)
        %dma_start3A_166 = arith.constant 0 : i32
        %dma_start3A_167 = tpu.memref_slice %arg5[%add3A_105, %dma_start3A_166] : memref<200x128xi32, #tpu.memory_space<vmem>> -> memref<1x128xi32, #tpu.memory_space<vmem>>
        %dma_start3A_168 = tpu.memref_squeeze %dma_start3A_167 : memref<1x128xi32, #tpu.memory_space<vmem>> -> memref<128xi32, #tpu.memory_space<vmem>>
        %dma_start3A_169 = arith.constant 0 : i32
        %dma_start3A_170 = arith.constant 0 : i32
        %dma_start3A_171 = tpu.memref_slice %arg3[%dma_start3A_169, %dma_start3A_170] : memref<100000x128xf32, #tpu.memory_space<hbm>> -> memref<100000x128xf32, #tpu.memory_space<hbm>>
        tpu.enqueue_indirect_dma source(%dma_start3A_171 : memref<100000x128xf32, #tpu.memory_space<hbm>>) target(%arg7 : memref<128x128xf32, #tpu.memory_space<vmem>>) offsets(%dma_start3A_168 : memref<128xi32, #tpu.memory_space<vmem>>) semaphore(%arg11 : memref<!tpu.dma_semaphore, #tpu.memory_space<semaphore_mem>>)
      } else {
      }
      %mul3A_111 = arith.constant 4 : i32
      %mul3A_112 = arith.muli %scan3A_65, %mul3A_111 : i32
      %add3A_113 = arith.constant 2 : i32
      %add3A_114 = arith.addi %mul3A_112, %add3A_113 : i32
      %dma_wait3A_115 = arith.constant 0 : i32
      %dma_wait3A_116 = tpu.memref_slice %arg5[%add3A_114, %dma_wait3A_115] : memref<200x128xi32, #tpu.memory_space<vmem>> -> memref<1x128xi32, #tpu.memory_space<vmem>>
      %dma_wait3A_117 = tpu.memref_squeeze %dma_wait3A_116 : memref<1x128xi32, #tpu.memory_space<vmem>> -> memref<128xi32, #tpu.memory_space<vmem>>
      %dma_wait3A_118 = arith.constant 0 : i32
      %dma_wait3A_119 = arith.constant 0 : i32
      %dma_wait3A_120 = tpu.memref_slice %arg3[%dma_wait3A_118, %dma_wait3A_119] : memref<100000x128xf32, #tpu.memory_space<hbm>> -> memref<100000x128xf32, #tpu.memory_space<hbm>>
      tpu.wait_indirect_dma semaphore(%arg12 : memref<!tpu.dma_semaphore, #tpu.memory_space<semaphore_mem>>) src(%dma_wait3A_120 : memref<100000x128xf32, #tpu.memory_space<hbm>>) dst(%arg8 : memref<128x128xf32, #tpu.memory_space<vmem>>)
      %add3A_121 = arith.addi %mul3A_2, %add3A_114 : i32
      %mul3A_122 = arith.constant 128 : i32
      %mul3A_123 = arith.muli %add3A_121, %mul3A_122 : i32
      %dma_start3A_124 = arith.constant 0 : i32
      %dma_start3A_125 = tpu.memref_slice %arg4[%mul3A_123, %dma_start3A_124] : memref<819200x128xf32, #tpu.memory_space<hbm>> -> memref<128x128xf32, #tpu.memory_space<hbm>>
      %dma_start3A_126 = arith.constant 0 : i32
      %dma_start3A_127 = tpu.memref_slice %arg4[%mul3A_123, %dma_start3A_126] : memref<819200x128xf32, #tpu.memory_space<hbm>> -> memref<128x128xf32, #tpu.memory_space<hbm>>
      tpu.enqueue_dma source(%arg8 : memref<128x128xf32, #tpu.memory_space<vmem>>) target(%dma_start3A_127 : memref<128x128xf32, #tpu.memory_space<hbm>>) target_semaphore(%arg16 : memref<!tpu.dma_semaphore, #tpu.memory_space<semaphore_mem>>)
      %add3A_128 = arith.constant 4 : i32
      %add3A_129 = arith.addi %add3A_114, %add3A_128 : i32
      %lt3A_130 = arith.constant 200 : i32
      %lt3A_131 = arith.cmpi slt, %add3A_129, %lt3A_130 : i32
      %convert_element_type3A_132 = arith.extui %lt3A_131 : i1 to i32
      %cond3A_133 = arith.constant 0 : i32
      %cond3A_134 = arith.cmpi ne, %convert_element_type3A_132, %cond3A_133 : i32
      scf.if %cond3A_134 {
        %add3A_159 = arith.addi %mul3A_2, %add3A_114 : i32
        %mul3A_160 = arith.constant 128 : i32
        %mul3A_161 = arith.muli %add3A_159, %mul3A_160 : i32
        %dma_wait3A_162 = arith.constant 0 : i32
        %dma_wait3A_163 = tpu.memref_slice %arg4[%mul3A_161, %dma_wait3A_162] : memref<819200x128xf32, #tpu.memory_space<hbm>> -> memref<128x128xf32, #tpu.memory_space<hbm>>
        %dma_wait3A_164 = arith.constant 0 : i32
        %dma_wait3A_165 = tpu.memref_slice %arg4[%mul3A_161, %dma_wait3A_164] : memref<819200x128xf32, #tpu.memory_space<hbm>> -> memref<128x128xf32, #tpu.memory_space<hbm>>
        tpu.wait_dma2 semaphore(%arg16 : memref<!tpu.dma_semaphore, #tpu.memory_space<semaphore_mem>>) src(%arg8 : memref<128x128xf32, #tpu.memory_space<vmem>>) dst(%dma_wait3A_165 : memref<128x128xf32, #tpu.memory_space<hbm>>)
        %dma_start3A_166 = arith.constant 0 : i32
        %dma_start3A_167 = tpu.memref_slice %arg5[%add3A_129, %dma_start3A_166] : memref<200x128xi32, #tpu.memory_space<vmem>> -> memref<1x128xi32, #tpu.memory_space<vmem>>
        %dma_start3A_168 = tpu.memref_squeeze %dma_start3A_167 : memref<1x128xi32, #tpu.memory_space<vmem>> -> memref<128xi32, #tpu.memory_space<vmem>>
        %dma_start3A_169 = arith.constant 0 : i32
        %dma_start3A_170 = arith.constant 0 : i32
        %dma_start3A_171 = tpu.memref_slice %arg3[%dma_start3A_169, %dma_start3A_170] : memref<100000x128xf32, #tpu.memory_space<hbm>> -> memref<100000x128xf32, #tpu.memory_space<hbm>>
        tpu.enqueue_indirect_dma source(%dma_start3A_171 : memref<100000x128xf32, #tpu.memory_space<hbm>>) target(%arg8 : memref<128x128xf32, #tpu.memory_space<vmem>>) offsets(%dma_start3A_168 : memref<128xi32, #tpu.memory_space<vmem>>) semaphore(%arg12 : memref<!tpu.dma_semaphore, #tpu.memory_space<semaphore_mem>>)
      } else {
      }
      %mul3A_135 = arith.constant 4 : i32
      %mul3A_136 = arith.muli %scan3A_65, %mul3A_135 : i32
      %add3A_137 = arith.constant 3 : i32
      %add3A_138 = arith.addi %mul3A_136, %add3A_137 : i32
      %dma_wait3A_139 = arith.constant 0 : i32
      %dma_wait3A_140 = tpu.memref_slice %arg5[%add3A_138, %dma_wait3A_139] : memref<200x128xi32, #tpu.memory_space<vmem>> -> memref<1x128xi32, #tpu.memory_space<vmem>>
      %dma_wait3A_141 = tpu.memref_squeeze %dma_wait3A_140 : memref<1x128xi32, #tpu.memory_space<vmem>> -> memref<128xi32, #tpu.memory_space<vmem>>
      %dma_wait3A_142 = arith.constant 0 : i32
      %dma_wait3A_143 = arith.constant 0 : i32
      %dma_wait3A_144 = tpu.memref_slice %arg3[%dma_wait3A_142, %dma_wait3A_143] : memref<100000x128xf32, #tpu.memory_space<hbm>> -> memref<100000x128xf32, #tpu.memory_space<hbm>>
      tpu.wait_indirect_dma semaphore(%arg13 : memref<!tpu.dma_semaphore, #tpu.memory_space<semaphore_mem>>) src(%dma_wait3A_144 : memref<100000x128xf32, #tpu.memory_space<hbm>>) dst(%arg9 : memref<128x128xf32, #tpu.memory_space<vmem>>)
      %add3A_145 = arith.addi %mul3A_2, %add3A_138 : i32
      %mul3A_146 = arith.constant 128 : i32
      %mul3A_147 = arith.muli %add3A_145, %mul3A_146 : i32
      %dma_start3A_148 = arith.constant 0 : i32
      %dma_start3A_149 = tpu.memref_slice %arg4[%mul3A_147, %dma_start3A_148] : memref<819200x128xf32, #tpu.memory_space<hbm>> -> memref<128x128xf32, #tpu.memory_space<hbm>>
      %dma_start3A_150 = arith.constant 0 : i32
      %dma_start3A_151 = tpu.memref_slice %arg4[%mul3A_147, %dma_start3A_150] : memref<819200x128xf32, #tpu.memory_space<hbm>> -> memref<128x128xf32, #tpu.memory_space<hbm>>
      tpu.enqueue_dma source(%arg9 : memref<128x128xf32, #tpu.memory_space<vmem>>) target(%dma_start3A_151 : memref<128x128xf32, #tpu.memory_space<hbm>>) target_semaphore(%arg17 : memref<!tpu.dma_semaphore, #tpu.memory_space<semaphore_mem>>)
      %add3A_152 = arith.constant 4 : i32
      %add3A_153 = arith.addi %add3A_138, %add3A_152 : i32
      %lt3A_154 = arith.constant 200 : i32
      %lt3A_155 = arith.cmpi slt, %add3A_153, %lt3A_154 : i32
      %convert_element_type3A_156 = arith.extui %lt3A_155 : i1 to i32
      %cond3A_157 = arith.constant 0 : i32
      %cond3A_158 = arith.cmpi ne, %convert_element_type3A_156, %cond3A_157 : i32
      scf.if %cond3A_158 {
        %add3A_159 = arith.addi %mul3A_2, %add3A_138 : i32
        %mul3A_160 = arith.constant 128 : i32
        %mul3A_161 = arith.muli %add3A_159, %mul3A_160 : i32
        %dma_wait3A_162 = arith.constant 0 : i32
        %dma_wait3A_163 = tpu.memref_slice %arg4[%mul3A_161, %dma_wait3A_162] : memref<819200x128xf32, #tpu.memory_space<hbm>> -> memref<128x128xf32, #tpu.memory_space<hbm>>
        %dma_wait3A_164 = arith.constant 0 : i32
        %dma_wait3A_165 = tpu.memref_slice %arg4[%mul3A_161, %dma_wait3A_164] : memref<819200x128xf32, #tpu.memory_space<hbm>> -> memref<128x128xf32, #tpu.memory_space<hbm>>
        tpu.wait_dma2 semaphore(%arg17 : memref<!tpu.dma_semaphore, #tpu.memory_space<semaphore_mem>>) src(%arg9 : memref<128x128xf32, #tpu.memory_space<vmem>>) dst(%dma_wait3A_165 : memref<128x128xf32, #tpu.memory_space<hbm>>)
        %dma_start3A_166 = arith.constant 0 : i32
        %dma_start3A_167 = tpu.memref_slice %arg5[%add3A_153, %dma_start3A_166] : memref<200x128xi32, #tpu.memory_space<vmem>> -> memref<1x128xi32, #tpu.memory_space<vmem>>
        %dma_start3A_168 = tpu.memref_squeeze %dma_start3A_167 : memref<1x128xi32, #tpu.memory_space<vmem>> -> memref<128xi32, #tpu.memory_space<vmem>>
        %dma_start3A_169 = arith.constant 0 : i32
        %dma_start3A_170 = arith.constant 0 : i32
        %dma_start3A_171 = tpu.memref_slice %arg3[%dma_start3A_169, %dma_start3A_170] : memref<100000x128xf32, #tpu.memory_space<hbm>> -> memref<100000x128xf32, #tpu.memory_space<hbm>>
        tpu.enqueue_indirect_dma source(%dma_start3A_171 : memref<100000x128xf32, #tpu.memory_space<hbm>>) target(%arg9 : memref<128x128xf32, #tpu.memory_space<vmem>>) offsets(%dma_start3A_168 : memref<128xi32, #tpu.memory_space<vmem>>) semaphore(%arg13 : memref<!tpu.dma_semaphore, #tpu.memory_space<semaphore_mem>>)
      } else {
      }
    }
    %scan3A_33 = arith.constant 50 : i32
    %add3A_34 = arith.constant 196 : i32
    %add3A_35 = arith.addi %mul3A_2, %add3A_34 : i32
    %mul3A_36 = arith.constant 128 : i32
    %mul3A_37 = arith.muli %add3A_35, %mul3A_36 : i32
    %dma_wait3A = arith.constant 0 : i32
    %dma_wait3A_38 = tpu.memref_slice %arg4[%mul3A_37, %dma_wait3A] : memref<819200x128xf32, #tpu.memory_space<hbm>> -> memref<128x128xf32, #tpu.memory_space<hbm>>
    %dma_wait3A_39 = arith.constant 0 : i32
    %dma_wait3A_40 = tpu.memref_slice %arg4[%mul3A_37, %dma_wait3A_39] : memref<819200x128xf32, #tpu.memory_space<hbm>> -> memref<128x128xf32, #tpu.memory_space<hbm>>
    tpu.wait_dma2 semaphore(%arg14 : memref<!tpu.dma_semaphore, #tpu.memory_space<semaphore_mem>>) src(%arg6 : memref<128x128xf32, #tpu.memory_space<vmem>>) dst(%dma_wait3A_40 : memref<128x128xf32, #tpu.memory_space<hbm>>)
    %add3A_41 = arith.constant 197 : i32
    %add3A_42 = arith.addi %mul3A_2, %add3A_41 : i32
    %mul3A_43 = arith.constant 128 : i32
    %mul3A_44 = arith.muli %add3A_42, %mul3A_43 : i32
    %dma_wait3A_45 = arith.constant 0 : i32
    %dma_wait3A_46 = tpu.memref_slice %arg4[%mul3A_44, %dma_wait3A_45] : memref<819200x128xf32, #tpu.memory_space<hbm>> -> memref<128x128xf32, #tpu.memory_space<hbm>>
    %dma_wait3A_47 = arith.constant 0 : i32
    %dma_wait3A_48 = tpu.memref_slice %arg4[%mul3A_44, %dma_wait3A_47] : memref<819200x128xf32, #tpu.memory_space<hbm>> -> memref<128x128xf32, #tpu.memory_space<hbm>>
    tpu.wait_dma2 semaphore(%arg15 : memref<!tpu.dma_semaphore, #tpu.memory_space<semaphore_mem>>) src(%arg7 : memref<128x128xf32, #tpu.memory_space<vmem>>) dst(%dma_wait3A_48 : memref<128x128xf32, #tpu.memory_space<hbm>>)
    %add3A_49 = arith.constant 198 : i32
    %add3A_50 = arith.addi %mul3A_2, %add3A_49 : i32
    %mul3A_51 = arith.constant 128 : i32
    %mul3A_52 = arith.muli %add3A_50, %mul3A_51 : i32
    %dma_wait3A_53 = arith.constant 0 : i32
    %dma_wait3A_54 = tpu.memref_slice %arg4[%mul3A_52, %dma_wait3A_53] : memref<819200x128xf32, #tpu.memory_space<hbm>> -> memref<128x128xf32, #tpu.memory_space<hbm>>
    %dma_wait3A_55 = arith.constant 0 : i32
    %dma_wait3A_56 = tpu.memref_slice %arg4[%mul3A_52, %dma_wait3A_55] : memref<819200x128xf32, #tpu.memory_space<hbm>> -> memref<128x128xf32, #tpu.memory_space<hbm>>
    tpu.wait_dma2 semaphore(%arg16 : memref<!tpu.dma_semaphore, #tpu.memory_space<semaphore_mem>>) src(%arg8 : memref<128x128xf32, #tpu.memory_space<vmem>>) dst(%dma_wait3A_56 : memref<128x128xf32, #tpu.memory_space<hbm>>)
    %add3A_57 = arith.constant 199 : i32
    %add3A_58 = arith.addi %mul3A_2, %add3A_57 : i32
    %mul3A_59 = arith.constant 128 : i32
    %mul3A_60 = arith.muli %add3A_58, %mul3A_59 : i32
    %dma_wait3A_61 = arith.constant 0 : i32
    %dma_wait3A_62 = tpu.memref_slice %arg4[%mul3A_60, %dma_wait3A_61] : memref<819200x128xf32, #tpu.memory_space<hbm>> -> memref<128x128xf32, #tpu.memory_space<hbm>>
    %dma_wait3A_63 = arith.constant 0 : i32
    %dma_wait3A_64 = tpu.memref_slice %arg4[%mul3A_60, %dma_wait3A_63] : memref<819200x128xf32, #tpu.memory_space<hbm>> -> memref<128x128xf32, #tpu.memory_space<hbm>>
    tpu.wait_dma2 semaphore(%arg17 : memref<!tpu.dma_semaphore, #tpu.memory_space<semaphore_mem>>) src(%arg9 : memref<128x128xf32, #tpu.memory_space<vmem>>) dst(%dma_wait3A_64 : memref<128x128xf32, #tpu.memory_space<hbm>>)
    return
  }
}

module attributes {stable_mosaic.version = 14 : i64} {
  func.func @_ln_body(%arg0: i32, %arg1: memref<4096x128xf32, #tpu.memory_space<vmem>>, %arg2: memref<4096x1xf32, #tpu.memory_space<vmem>>, %arg3: memref<2x128xf32, #tpu.memory_space<vmem>>, %arg4: memref<1x128xf32, #tpu.memory_space<vmem>>, %arg5: memref<1x128xf32, #tpu.memory_space<vmem>>, %arg6: memref<4096x128xf32, #tpu.memory_space<vmem>>) attributes {dimension_semantics = [#tpu.dimension_semantics<arbitrary>], iteration_bounds = array<i64: 200>, scalar_prefetch = 0 : i64, scratch_operands = 0 : i64, tpu.core_type = #tpu.core_type<tc>, window_params = [{transform_indices = @transform_0, window_bounds = array<i64: 4096, 128>}, {transform_indices = @transform_1, window_bounds = array<i64: 4096, 1>}, {pipeline_mode = #tpu.pipeline_mode<synchronous>, transform_indices = @transform_2, window_bounds = array<i64: 2, 128>}, {pipeline_mode = #tpu.pipeline_mode<synchronous>, transform_indices = @transform_3, window_bounds = array<i64: 1, 128>}, {pipeline_mode = #tpu.pipeline_mode<synchronous>, transform_indices = @transform_4, window_bounds = array<i64: 1, 128>}, {transform_indices = @transform_5, window_bounds = array<i64: 4096, 128>}]} {
    %get3A = arith.constant 0 : index
    %get3A_0 = arith.constant 0 : index
    %get3A_1 = vector.load %arg1[%get3A, %get3A_0] : memref<4096x128xf32, #tpu.memory_space<vmem>>, vector<4096x128xf32>
    %get3A_2 = arith.constant 0 : index
    %get3A_3 = arith.constant 0 : index
    %get3A_4 = vector.load %arg2[%get3A_2, %get3A_3] : memref<4096x1xf32, #tpu.memory_space<vmem>>, vector<4096x1xf32>
    %get3A_5 = arith.constant 0 : index
    %get3A_6 = arith.constant 0 : index
    %get3A_7 = vector.load %arg3[%get3A_5, %get3A_6] : memref<2x128xf32, #tpu.memory_space<vmem>>, vector<1x128xf32>
    %get3A_8 = arith.constant 1 : index
    %get3A_9 = arith.constant 0 : index
    %get3A_10 = vector.load %arg3[%get3A_8, %get3A_9] : memref<2x128xf32, #tpu.memory_space<vmem>>, vector<1x128xf32>
    %add3A = vector.broadcast %get3A_7 : vector<1x128xf32> to vector<4096x128xf32>
    %add3A_11 = arith.addf %get3A_1, %add3A : vector<4096x128xf32>
    %sub3A = arith.subf %get3A_10, %get3A_7 : vector<1x128xf32>
    %mul3A = vector.broadcast %get3A_4 : vector<4096x1xf32> to vector<4096x128xf32>
    %mul3A_12 = vector.broadcast %sub3A : vector<1x128xf32> to vector<4096x128xf32>
    %mul3A_13 = arith.mulf %mul3A, %mul3A_12 : vector<4096x128xf32>
    %add3A_14 = arith.addf %add3A_11, %mul3A_13 : vector<4096x128xf32>
    %reduce_sum3A = arith.constant dense<0.000000e+00> : vector<4096xf32>
    %reduce_sum3A_15 = vector.multi_reduction <add>, %add3A_14, %reduce_sum3A [1] : vector<4096x128xf32> to vector<4096xf32>
    %broadcast_in_dim3A = vector.shape_cast %reduce_sum3A_15 : vector<4096xf32> to vector<4096x1xf32>
    %div3A = arith.constant 1.280000e+02 : f32
    %div3A_16 = vector.broadcast %div3A : f32 to vector<4096x1xf32>
    %div3A_17 = arith.divf %broadcast_in_dim3A, %div3A_16 : vector<4096x1xf32>
    %sub3A_18 = vector.broadcast %div3A_17 : vector<4096x1xf32> to vector<4096x128xf32>
    %sub3A_19 = arith.subf %add3A_14, %sub3A_18 : vector<4096x128xf32>
    %mul3A_20 = arith.mulf %sub3A_19, %sub3A_19 : vector<4096x128xf32>
    %reduce_sum3A_21 = arith.constant dense<0.000000e+00> : vector<4096xf32>
    %reduce_sum3A_22 = vector.multi_reduction <add>, %mul3A_20, %reduce_sum3A_21 [1] : vector<4096x128xf32> to vector<4096xf32>
    %broadcast_in_dim3A_23 = vector.shape_cast %reduce_sum3A_22 : vector<4096xf32> to vector<4096x1xf32>
    %div3A_24 = arith.constant 1.280000e+02 : f32
    %div3A_25 = vector.broadcast %div3A_24 : f32 to vector<4096x1xf32>
    %div3A_26 = arith.divf %broadcast_in_dim3A_23, %div3A_25 : vector<4096x1xf32>
    %add3A_27 = arith.constant 9.99999996E-13 : f32
    %add3A_28 = vector.broadcast %add3A_27 : f32 to vector<4096x1xf32>
    %add3A_29 = arith.addf %div3A_26, %add3A_28 : vector<4096x1xf32>
    %rsqrt3A = math.rsqrt %add3A_29 : vector<4096x1xf32>
    %mul3A_30 = vector.broadcast %rsqrt3A : vector<4096x1xf32> to vector<4096x128xf32>
    %mul3A_31 = arith.mulf %sub3A_19, %mul3A_30 : vector<4096x128xf32>
    %get3A_32 = arith.constant 0 : index
    %get3A_33 = arith.constant 0 : index
    %get3A_34 = vector.load %arg4[%get3A_32, %get3A_33] : memref<1x128xf32, #tpu.memory_space<vmem>>, vector<1x128xf32>
    %mul3A_35 = vector.broadcast %get3A_34 : vector<1x128xf32> to vector<4096x128xf32>
    %mul3A_36 = arith.mulf %mul3A_31, %mul3A_35 : vector<4096x128xf32>
    %get3A_37 = arith.constant 0 : index
    %get3A_38 = arith.constant 0 : index
    %get3A_39 = vector.load %arg5[%get3A_37, %get3A_38] : memref<1x128xf32, #tpu.memory_space<vmem>>, vector<1x128xf32>
    %add3A_40 = vector.broadcast %get3A_39 : vector<1x128xf32> to vector<4096x128xf32>
    %add3A_41 = arith.addf %mul3A_36, %add3A_40 : vector<4096x128xf32>
    %swap3A = arith.constant 0 : index
    %swap3A_42 = arith.constant 0 : index
    %swap3A_43 = vector.load %arg6[%swap3A, %swap3A_42] : memref<4096x128xf32, #tpu.memory_space<vmem>>, vector<4096x128xf32>
    tpu.vector_store %arg6[%swap3A, %swap3A_42], %add3A_41 {strides = array<i32>} : memref<4096x128xf32, #tpu.memory_space<vmem>>, vector<4096x128xf32>,
    return
  }
  func.func @transform_0(%arg0: i32) -> (i32, i32) {
    %c0_i32 = arith.constant 0 : i32
    %c0_i32_0 = arith.constant 0 : i32
    return %arg0, %c0_i32 : i32, i32
  }
  func.func @transform_1(%arg0: i32) -> (i32, i32) {
    %c0_i32 = arith.constant 0 : i32
    %c0_i32_0 = arith.constant 0 : i32
    return %arg0, %c0_i32 : i32, i32
  }
  func.func @transform_2(%arg0: i32) -> (i32, i32) {
    %c0_i32 = arith.constant 0 : i32
    %c0_i32_0 = arith.constant 0 : i32
    %c0_i32_1 = arith.constant 0 : i32
    return %c0_i32, %c0_i32_0 : i32, i32
  }
  func.func @transform_3(%arg0: i32) -> (i32, i32) {
    %c0_i32 = arith.constant 0 : i32
    %c0_i32_0 = arith.constant 0 : i32
    %c0_i32_1 = arith.constant 0 : i32
    return %c0_i32, %c0_i32_0 : i32, i32
  }
  func.func @transform_4(%arg0: i32) -> (i32, i32) {
    %c0_i32 = arith.constant 0 : i32
    %c0_i32_0 = arith.constant 0 : i32
    %c0_i32_1 = arith.constant 0 : i32
    return %c0_i32, %c0_i32_0 : i32, i32
  }
  func.func @transform_5(%arg0: i32) -> (i32, i32) {
    %add3A = arith.constant 0 : i32
    %add3A_0 = arith.addi %arg0, %add3A : i32
    %c0_i32 = arith.constant 0 : i32
    %c0_i32_1 = arith.constant 0 : i32
    return %add3A_0, %c0_i32 : i32, i32
  }
}

</mosaic_0001>

<sc_bundles>
// kernel: kernel.4.cloned.1.call-start
scs
__scs_entry_jumppad:
0x0: {  	(pc) =	sbr.rel $0x88, $3  }
0x1: {  	(tag) =	ssettag $0x0;
	lr =	simm.s32 $0x1  }
0x2: {  	[smem:$0x3F9B] =	sst lr;
	_ =	strace $0xD0000000  }
0x3: {  	_ = 	snop  }
0x4: {  	_ = 	snop  }
0x5: {  	_ = 	snop  }
0x6: {  	_ = 	snop  }
0x7: {  	_ = 	snop  }
__scs_overlays_trampoline_lowered:
0x8: {  	[smem:$0x3FAA] =	sst s0  }
0x9: {  	[smem:$0x3FAB] =	sst s1  }
0xa: {  	[smem:$0x3FAC] =	sst s2  }
0xb: {  	[smem:$0x3FAD] =	sst s3  }
0xc: {  	[smem:$0x3FAE] =	sst s4  }
0xd: {  	[smem:$0x3FAF] =	sst s5  }
0xe: {  	[smem:$0x3FB0] =	sst s6  }
0xf: {  	[smem:$0x3FB1] =	sst s7  }
0x10: {  	[smem:$0x3FB2] =	sst s8  }
0x11: {  	[smem:$0x3FB3] =	sst s9;
	s0 =	simm.s32 @!p0 $0x0  }
0x12: {  	s1 =	sld [smem:$0x3F99];
	s0 =	simm.s32 @p0 $0x1  }
0x13: {  	[smem:$0x3FB4] =	sst s0;
	s0 =	simm.s32 @!p1 $0x0  }
0x14: {  	s2 =	sld [smem:$0x3F98];
	s0 =	simm.s32 @p1 $0x1  }
0x15: {  	[smem:$0x3FB5] =	sst s0;
	s0 =	simm.s32 @!p2 $0x0  }
0x16: {  	s3 =	sld [smem:$0x3FDB];
	s0 =	simm.s32 @p2 $0x1  }
0x17: {  	s4 =	simm.s32 $0x1BF5;
	[smem:$0x3FB7] =	sst s0  }
0x18: {  	s0 =	sld [smem:$0x3F9A];
	_ =	swait.ge [sflag:s4], $0x0  }
0x19: {  	s7 =	sld [smem:$0x3F9B]  }
0x1a: {  	s8 =	sadd.s32 $0xFFFFE003, lr  }
0x1b: {  	s9 =	sadd.s32 $0xFFFFFEF7, lr;
	s5 =	simm.s32 $0xFFFFFFFF;
	p2 =	slt.u32 s8, $0xFFFFF086  }
0x1c: {  	p1 =	slt.u32 s9, $0xF7A;
	s5 =	simm.s32 @!p2 $0x0  }
0x1d: {  	s5 =	simm.s32 @p1 $0x1;
	p0 =	seq.s32 s7, s2  }
0x1e: {  	s7 =	smul.u32 @!p0 $0xF7A, s2;
	p2 =	seq.s32 @!p0 s5, $0x0  }
0x1f: {  	s9 =	smul.u32 $0xF7A, s1;
	s8 =	simm.s32 @!p0 $0x1BF5;
	p2 =	por !p2, p0  }
0x20: {  	[sflag:s8] =	ssyncset.s32 @!p0 $0xFFFFF086;
	s6 =	sadd.s32 @!p0 s3, s7;
	s7 =	simm.s32 @!p0 $0x108  }
0x21: {  	s3 =	sadd.s32 s3, s9;
	s6 =	sadd.s32 @!p0 $0x88, s6;
	s7 =	simm.s32 @p2 $0x1082  }
0x22: {  	[simem:s7], [sflag:s8] =	dma.local @!p0 [hbm:s6], $0xF7A  }
0x23: {  	s9 =	sor.u32 $0xD0000000, s2;
	s6 =	simm.s32 $0x108;
	_ =	swait.ge @!p0 [sflag:s8], $0x0  }
0x24: {  	s3 =	sadd.s32 $0x88, s3;
	s6 =	simm.s32 @!p1 $0x1082;
	[sflag:s4] =	ssyncset.s32 $0xFFFFF086  }
0x25: {  	[simem:s6], [sflag:s4] =	dma.local [hbm:s3], $0xF7A  }
0x26: {  	[smem:$0x3F9B] =	sst s1;
	(tag) =	ssettag s2;
	_ =	strace s9  }
0x27: {  	s1 =	sld [smem:$0x3FAB]  }
0x28: {  	s2 =	sld [smem:$0x3FAC]  }
0x29: {  	s4 =	sld [smem:$0x3FAE]  }
0x2a: {  	p0 =	seq.s32 s5, $0x0;
	s5 =	sld [smem:$0x3FAF]  }
0x2b: {  	s6 =	sld [smem:$0x3FB0]  }
0x2c: {  	s7 =	sld [smem:$0x3FB1]  }
0x2d: {  	s3 =	simm.s32 $0x108;
	s8 =	sld [smem:$0x3FB2]  }
0x2e: {  	s3 =	simm.s32 @!p0 $0x1082;
	s9 =	sld [smem:$0x3FB3]  }
0x2f: {  	lr =	sadd.s32 s0, s3;
	s0 =	sld [smem:$0x3FAA]  }
0x30: {  	s3 =	sld [smem:$0x3FAD]  }
0x31: {  	[smem:$0x3FB6] =	sst s10  }
0x32: {  	s10 =	sld [smem:$0x3FB4];
	_ =	sdelay $0x3  }
0x33: {  	p0 =	seq.s32 s10, $0x1;
	s10 =	sld [smem:$0x3FB6];
	_ =	sdelay $0x3  }
0x34: {  	[smem:$0x3FB6] =	sst s10  }
0x35: {  	s10 =	sld [smem:$0x3FB5];
	_ =	sdelay $0x3  }
0x36: {  	p1 =	seq.s32 s10, $0x1;
	s10 =	sld [smem:$0x3FB6];
	_ =	sdelay $0x3  }
0x37: {  	[smem:$0x3FB6] =	sst s10  }
0x38: {  	s10 =	sld [smem:$0x3FB7]  }
0x39: {  	_ = 	snop;
	(pc) =	sbr.ind lr, $3  }
0x3a: {  	_ = 	snop  }
0x3b: {  	_ = 	snop  }
0x3c: {  	p2 =	seq.s32 s10, $0x1;
	s10 =	sld [smem:$0x3FB6]  }
0x3d: {  	_ =	shalt  }
0x3e: {  	_ =	shalt  }
0x3f: {  	_ =	shalt  }
0x40: {  	_ =	shalt  }
0x41: {  	_ =	shalt  }
0x42: {  	_ =	shalt  }
0x43: {  	_ =	shalt  }
0x44: {  	_ =	shalt  }
0x45: {  	_ =	shalt  }
0x46: {  	_ =	shalt  }
0x47: {  	_ =	shalt  }
0x48: {  	_ =	shalt  }
0x49: {  	_ =	shalt  }
0x4a: {  	_ =	shalt  }
0x4b: {  	_ =	shalt  }
0x4c: {  	_ =	shalt  }
0x4d: {  	_ =	shalt  }
0x4e: {  	_ =	shalt  }
0x4f: {  	_ =	shalt  }
0x50: {  	_ =	shalt  }
0x51: {  	_ =	shalt  }
0x52: {  	_ =	shalt  }
0x53: {  	_ =	shalt  }
0x54: {  	_ =	shalt  }
0x55: {  	_ =	shalt  }
0x56: {  	_ =	shalt  }
0x57: {  	_ =	shalt  }
0x58: {  	_ =	shalt  }
0x59: {  	_ =	shalt  }
0x5a: {  	_ =	shalt  }
0x5b: {  	_ =	shalt  }
0x5c: {  	_ =	shalt  }
0x5d: {  	_ =	shalt  }
0x5e: {  	_ =	shalt  }
0x5f: {  	_ =	shalt  }
0x60: {  	_ =	shalt  }
0x61: {  	_ =	shalt  }
0x62: {  	_ =	shalt  }
0x63: {  	_ =	shalt  }
0x64: {  	_ =	shalt  }
0x65: {  	_ =	shalt  }
0x66: {  	_ =	shalt  }
0x67: {  	_ =	shalt  }
0x68: {  	_ =	shalt  }
0x69: {  	_ =	shalt  }
0x6a: {  	_ =	shalt  }
0x6b: {  	_ =	shalt  }
0x6c: {  	_ =	shalt  }
0x6d: {  	_ =	shalt  }
0x6e: {  	_ =	shalt  }
0x6f: {  	_ =	shalt  }
0x70: {  	_ =	shalt  }
0x71: {  	_ =	shalt  }
0x72: {  	_ =	shalt  }
0x73: {  	_ =	shalt  }
0x74: {  	_ =	shalt  }
0x75: {  	_ =	shalt  }
0x76: {  	_ =	shalt  }
0x77: {  	_ =	shalt  }
0x78: {  	_ =	shalt  }
0x79: {  	_ =	shalt  }
0x7a: {  	_ =	shalt  }
0x7b: {  	_ =	shalt  }
0x7c: {  	_ =	shalt  }
0x7d: {  	_ =	shalt  }
0x7e: {  	_ =	shalt  }
0x7f: {  	_ =	shalt  }
0x80: {  	_ =	shalt  }
0x81: {  	_ =	shalt  }
0x82: {  	_ =	shalt  }
0x83: {  	_ =	shalt  }
0x84: {  	_ =	shalt  }
0x85: {  	_ =	shalt  }
0x86: {  	_ =	shalt  }
0x87: {  	_ =	shalt  }
.Lfunc_end0:
.L_simem_size_0:
called_computation_lowered:
.L_overlay_start_0:
0x88: {  	s2 =	sld [smem:$0x3FD9]  }
0x89: {  	s3 =	sld [smem:$0x3FFE];
	_ =	sdelay $0x1  }
0x8a: {  	s1 =	srdreg.scid  }
0x8b: {  	s0 =	sand.u32 $0x1, s1  }
0x8c: {  	s17 =	sshll.u32 s0, $0xA;
	s2 =	sadd.s32 s3, s2  }
0x8d: {  	s2 =	sadd.s32 s2, s17  }
0x8e: {  	[smem:$0x3FC2] =	sst s2  }
0x8f: {  	_ = 	snop  }
0x90: {  	s2 =	sld [smem:$0x3FC7]  }
0x91: {  	s18 =	sld [smem:$0x3FD0];
	(tm) =	ssettm $0x1  }
0x92: {  	s4 =	sld [smem:$0x3FFB];
	_ =	sdelay $0x3  }
0x93: {  	_ =	strace s4  }
0x94: {  	s4 =	sld [smem:$0x3FFC];
	_ =	sdelay $0x3  }
0x95: {  	_ =	strace s4  }
0x96: {  	s4 =	sld [smem:$0x3FFD];
	_ =	sdelay $0x3  }
0x97: {  	_ =	strace s4  }
0x98: {  	_ =	strace $0x8FFFFFFF  }
0x99: {  	s19 =	sld [smem:$0x3FDB];
	_ =	sdelay $0x1  }
0x9a: {  	s5 =	simm.s32 $_scs_section_size  }
0x9b: {  	s6 =	simm.s32 $_size__tile_overlayer_lowered;
	s7 =	simm.s32 $_tile_overlayer_lowered  }
0x9c: {  	s22 =	simm.s32 $0x1BFF;
	s21 =	sshll.u32 s7, $0x1;
	s4 =	sadd.s32 s5, s19  }
0x9d: {  	s8 =	simm.s32 $0x0;
	s20 =	sshll.u32 s6, $0x1;
	s6 =	sadd.s32 s21, s4  }
0x9e: {  	[timem:s8], [sflag:s22] =	dma.local [hbm:s6], s20  }
0x9f: {  	_ =	swait.ge [sflag:s22], s20  }
0xa0: {  	s5 =	ssub.s32 $0x0, s20;
	[sflag:s22] =	ssyncset.done $0x0  }
0xa1: {  	[sflag:s22] =	ssyncadd.s32 s5;
	_ =	sdelay $0x1  }
0xa2: {  	s23 =	simm.s32 $0x1B8B  }
0xa3: {  	_ =	swait.ge [sflag:s23], $0x1  }
0xa4: {  	[sflag:s23] =	ssyncset.done $0x0  }
0xa5: {  	s25 =	simm.s32 $0x1B8E;
	s24 =	sld [smem:$0x3FFE];
	[sflag:s23] =	ssyncadd.s32 $0xFFFFFFFF  }
0xa6: {  	s26 =	simm.s32 $execute0_lowered;
	[smem:$0x3FD2] =	sst s25  }
0xa7: {  	s6 =	sshll.u32 s26, $0x1;
	_ =	strace $0x80000046;
	[dreg:$0x1] =	wrdreg $0xFFFFFFFF  }
0xa8: {  	s28 =	simm.s32 $_size_execute0_lowered;
	s4 =	sadd.s32 s4, s6;
	[dreg:$0x0] =	wrdreg $0x0  }
0xa9: {  	s6 =	sshll.u32 s28, $0x1;
	[dreg:$0x2] =	wrdreg s4  }
0xaa: {  	[dreg:$0x3] =	wrdreg s6  }
0xab: {  	[dreg:$0x4] =	wrdreg $0xC0  }
0xac: {  	_ =	task [dreg:s8], $0x5FFFF  }
0xad: {  	[dreg:$0x1] =	wrdreg $0xFFFFFFFF  }
0xae: {  	[dreg:$0x0] =	wrdreg $0x60  }
0xaf: {  	[dreg:$0x2] =	wrdreg s18  }
0xb0: {  	[dreg:$0x3] =	wrdreg s2  }
0xb1: {  	[dreg:$0x4] =	wrdreg s24  }
0xb2: {  	[dreg:$0x5] =	wrdreg $0x9  }
0xb3: {  	_ =	task.clear_ibuf [dreg:s8], $0x6FFFF;
	_ =	strace $0x90000046  }
0xb4: {  	s29 =	simm.s32 $0x9;
	_ =	strace $0x80000048  }
0xb5: {  	_ =	swait.ge [sflag:s29], $0x1  }
0xb6: {  	[sflag:s29] =	ssyncadd.s32 $0xFFFFFFFF  }
0xb7: {  	_ =	strace $0x90000048  }
0xb8: {  	_ =	sfence  }
0xb9: {  	s30 =	sld [smem:$0x0];
	_ =	sdelay $0x2  }
0xba: {  	s31 =	sshll.u32 s1, $0xD;
	s1 =	sshrl.u32 s1, $0x2  }
0xbb: {  	s3 =	sand.u32 $0x4000, s31;
	s1 =	sadd.s32 s1, s30  }
0xbc: {  	s0 =	sor.u32 s3, s0;
	s1 =	sshll.u32 s1, $0x11  }
0xbd: {  	s0 =	sor.u32 s1, s0  }
0xbe: {  	s0 =	sadd.s32 $0x8F2B, s0  }
0xbf: {  	[sflag:s0] =	ssyncadd.remote.s32 $0x1  }
0xc0: {  	_ =	sfence.sel $0xFFFF  }
0xc1: {  	[dreg:$0x0] =	wrdreg $0xFFFFFFFF;
	(pc) =	sbr.abs _section_cstart, $3  }
0xc2: {  	[dreg:$0x1] =	wrdreg $0xFFFFFFFF  }
0xc3: {  	_ =	task.clear_ibuf [dreg:s8], $0x2FFFF;
	_ =	strace $0x9FFFFFFF  }
0xc4: {  	(tm) =	ssettm $0x7FFFFFFF  }
0xc5: {  	_ =	shalt  }
tec
execute0_lowered:
.L_overlay_start_1:
0x0: {  	(tag) =	ssettag $0x1  }
0x1: {  	s4 =	rddreg [dreg:$0x0]  }
0x2: {  	s1 =	rddreg [dreg:$0x1]  }
0x3: {  	s5 =	rddreg [dreg:$0x2];
	s3 =	simm.s32 $0x0  }
0x4: {  	s6 =	srdreg.scid;
	s0 =	stileid.u32;
	s14 =	simm.s32 $0xE400  }
0x5: {  	s15 =	simm.s32 $0x180;
	s16 =	simm.s32 $0x12400;
	s17 =	simm.s32 $0x1  }
0x6: {  	s18 =	simm.s32 $0x2;
	s19 =	simm.s32 $0x3;
	s20 =	simm.s32 $0x4  }
0x7: {  	s21 =	simm.s32 $0x5;
	s22 =	simm.s32 $0x6;
	s23 =	simm.s32 $0x7  }
0x8: {  	s24 =	simm.s32 $0x8;
	s25 =	simm.s32 $0x0;
	s8 =	smul.u32 $0x190, s0  }
0x9: {  	[smem:$0x7FF] =	sst s3;
	s6 =	sand.u32 $0x1, s6;
	s30 =	smul.u32 $0xC8000, s0  }
0xa: {  	s7 =	sshll.u32 s0, $0x1;
	s12 =	sadd.s32 $0xC00, s5;
	s10 =	smul.u32 $0xC8, s6  }
0xb: {  	s9 =	ssub.s32 $0x2, s6;
	s7 =	sor.u32 s6, s7;
	s31 =	smul.u32 $0x64000, s6  }
0xc: {  	_ =	strace $0x80000047;
	s11 =	sshrl.u32 s9, $0x1;
	s7 =	smul.u32 $0xC80, s7  }
.Ltmp0:
0xd: {  	s28 =	ssub.s32 s9, s11;
	s8 =	sadd.s32 s10, s8;
	(pc) =	sbr.rel .LBB2_1-.Ltmp0, $4  }
0xe: {  	s9 =	simm.s32 $0x9;
	s10 =	simm.s32 $0x80;
	s11 =	simm.s32 $0x6400  }
0xf: {  	s4 =	sadd.s32 s4, s7;
	s29 =	sshll.u32 s8, $0xB;
	s8 =	sadd.s32 s30, s12  }
0x10: {  	s5 =	smax.u32 s28, $0x1;
	s7 =	sadd.s32 s29, s12;
	s8 =	sadd.s32 s31, s8  }
0x11: {  	s12 =	simm.s32 $0xA400;
	s6 =	sadd.s32 $0x1800, s7;
	s7 =	sadd.s32 $0x1000, s7  }
.LBB2_4:
0x12: {  	_ =	swait.ge [sflag:s21], $0x4000  }
0x13: {  	[sflag:s21] =	ssyncset.done $0x0  }
0x14: {  	[sflag:s21] =	ssyncadd.s32 $0xFFFFC000  }
0x15: {  	_ =	swait.ge [sflag:s22], $0x4000  }
0x16: {  	[sflag:s22] =	ssyncset.done $0x0  }
0x17: {  	s25 =	sadd.s32 $0x1, s25;
	[sflag:s22] =	ssyncadd.s32 $0xFFFFC000  }
0x18: {  	p0 =	sne.s32 s25, s5;
	_ =	swait.ge [sflag:s23], $0x4000  }
.Ltmp1:
0x19: {  	[sflag:s23] =	ssyncset.done $0x0;
	(pc) =	sbr.rel @!p0 .LBB2_5-.Ltmp1, $4  }
0x1a: {  	[sflag:s23] =	ssyncadd.s32 $0xFFFFC000  }
0x1b: {  	_ =	swait.ge [sflag:s24], $0x4000  }
0x1c: {  	[sflag:s24] =	ssyncset.done $0x0  }
0x1d: {  	[sflag:s24] =	ssyncadd.s32 $0xFFFFC000  }
.LBB2_1:
0x1e: {  	[tilespmem:s3], [sflag:$0x9] =	stream.linear.gather [hbm4b:s4+s3], $0x6400, $0x38;
	[tilespmem:$0x16400] =	vst v63  }
0x1f: {  	_ =	swait.ge [sflag:s9], $0x6400  }
0x20: {  	[sflag:s9] =	ssyncset.done $0x0  }
0x21: {  	[sflag:s9] =	ssyncadd.s32 $0xFFFF9C00  }
0x22: {  	[tilespmem:s11], [sflag:$0x1] =	stream.indirect.gather [hbm4b:s1+s10], $0x80, s3, s10, $0xb8;
	[tilespmem:$0x16400] =	vst v63  }
0x23: {  	_ = 	snop  }
0x24: {  	[tilespmem:s12], [sflag:$0x2] =	stream.indirect.gather [hbm4b:s1+s10], $0x80, s10, s10, $0xb8;
	[tilespmem:$0x16400] =	vst v63  }
0x25: {  	s0 =	simm.s32 $0x100;
	s26 =	smov.u32 s8  }
0x26: {  	[tilespmem:s14], [sflag:$0x3] =	stream.indirect.gather [hbm4b:s1+s10], $0x80, s0, s10, $0xb8;
	[tilespmem:$0x16400] =	vst v63  }
0x27: {  	s28 =	smov.u32 s7;
	s29 =	smov.u32 s6;
	s30 =	simm.s32 $0x0  }
0x28: {  	[tilespmem:s16], [sflag:$0x4] =	stream.indirect.gather [hbm4b:s1+s10], $0x80, s15, s10, $0xb8;
	[tilespmem:$0x16400] =	vst v63  }
.LBB2_2:
0x29: {  	_ =	swait.ge [sflag:s17], $0x4000  }
0x2a: {  	p0 =	seq.s32 s30, $0x18800;
	[sflag:s17] =	ssyncset.done $0x0  }
0x2b: {  	s31 =	simm.s32 @!p0 $0x5;
	[sflag:s17] =	ssyncadd.s32 $0xFFFFC000  }
0x2c: {  	[hbm4b:s26+s3] =	stream.linear.scatter [tilespmem:s11], [sflag:$0x5], $0x4000, $0x38;
	[tilespmem:$0x16400] =	vst v63  }
0x2d: {  	_ =	swait.ge @!p0 [sflag:s31], $0x4000  }
0x2e: {  	[sflag:s31] =	ssyncset.done @!p0 $0x0  }
0x2f: {  	[sflag:s31] =	ssyncadd.s32 @!p0 $0xFFFFC000;
	s31 =	sshra.s32 @!p0 s30, $0x2  }
0x30: {  	s2 =	simm.s32 @!p0 $0x80;
	s13 =	simm.s32 @!p0 $0x6400;
	s0 =	sadd.s32 @!p0 $0x200, s31  }
0x31: {  	[tilespmem:s13], [sflag:$0x1] =	stream.indirect.gather @!p0 [hbm4b:s1+s2], $0x80, s0, s2, $0xb8;
	[tilespmem:$0x16400] =	vst v63  }
0x32: {  	_ =	swait.ge [sflag:s18], $0x4000  }
0x33: {  	[sflag:s18] =	ssyncset.done $0x0  }
0x34: {  	s13 =	sadd.s32 $0xFFFFF000, s29;
	s0 =	simm.s32 @!p0 $0x6;
	[sflag:s18] =	ssyncadd.s32 $0xFFFFC000  }
0x35: {  	[hbm4b:s13+s3] =	stream.linear.scatter [tilespmem:s12], [sflag:$0x6], $0x4000, $0x38;
	[tilespmem:$0x16400] =	vst v63  }
0x36: {  	_ =	swait.ge @!p0 [sflag:s0], $0x4000  }
0x37: {  	[sflag:s0] =	ssyncset.done @!p0 $0x0  }
0x38: {  	s13 =	simm.s32 @!p0 $0xA400;
	[sflag:s0] =	ssyncadd.s32 @!p0 $0xFFFFC000;
	s0 =	sadd.s32 @!p0 $0x280, s31  }
0x39: {  	[tilespmem:s13], [sflag:$0x2] =	stream.indirect.gather @!p0 [hbm4b:s1+s2], $0x80, s0, s2, $0xb8;
	[tilespmem:$0x16400] =	vst v63  }
0x3a: {  	_ =	swait.ge [sflag:s19], $0x4000  }
0x3b: {  	[sflag:s19] =	ssyncset.done $0x0  }
0x3c: {  	s0 =	simm.s32 @!p0 $0x7;
	[sflag:s19] =	ssyncadd.s32 $0xFFFFC000  }
0x3d: {  	[hbm4b:s28+s3] =	stream.linear.scatter [tilespmem:s14], [sflag:$0x7], $0x4000, $0x38;
	[tilespmem:$0x16400] =	vst v63  }
0x3e: {  	_ =	swait.ge @!p0 [sflag:s0], $0x4000  }
0x3f: {  	[sflag:s0] =	ssyncset.done @!p0 $0x0  }
0x40: {  	s13 =	simm.s32 @!p0 $0xE400;
	[sflag:s0] =	ssyncadd.s32 @!p0 $0xFFFFC000;
	s0 =	sadd.s32 @!p0 $0x300, s31  }
0x41: {  	[tilespmem:s13], [sflag:$0x3] =	stream.indirect.gather @!p0 [hbm4b:s1+s2], $0x80, s0, s2, $0xb8;
	[tilespmem:$0x16400] =	vst v63  }
.Ltmp2:
0x42: {  	_ = 	snop;
	(pc) =	sbr.rel @p0 .LBB2_4-.Ltmp2, $4  }
0x43: {  	_ =	swait.ge [sflag:s20], $0x4000  }
0x44: {  	[sflag:s20] =	ssyncset.done $0x0  }
0x45: {  	[sflag:s20] =	ssyncadd.s32 $0xFFFFC000  }
0x46: {  	[hbm4b:s29+s3] =	stream.linear.scatter [tilespmem:s16], [sflag:$0x8], $0x4000, $0x38;
	[tilespmem:$0x16400] =	vst v63  }
.Ltmp3:
0x47: {  	(pc) =	sbr.rel .LBB2_2-.Ltmp3, $4  }
0x48: {  	_ =	swait.ge [sflag:s24], $0x4000;
	s0 =	sshra.s32 s30, $0x2;
	s30 =	sadd.s32 $0x800, s30  }
0x49: {  	s29 =	sadd.s32 $0x2000, s29;
	s28 =	sadd.s32 $0x2000, s28;
	[sflag:s24] =	ssyncset.done $0x0  }
0x4a: {  	s26 =	sadd.s32 $0x2000, s26;
	s0 =	sadd.s32 $0x380, s0;
	[sflag:s24] =	ssyncadd.s32 $0xFFFFC000  }
0x4b: {  	[tilespmem:s16], [sflag:$0x4] =	stream.indirect.gather [hbm4b:s1+s10], $0x80, s0, s10, $0xb8;
	[tilespmem:$0x16400] =	vst v63  }
.LBB2_5:
0x4c: {  	_ =	sfence.sel $0x180000  }
0x4d: {  	[bflag:$0x0] =	sbarrier.arrive $0xFFFF  }
0x4e: {  	_ =	strace $0x90000047  }
0x4f: {  	s0 =	stileid.u32;
	[bflag:$0x2] =	sbarrier.arrive $0xFFFF  }
0x50: {  	p0 =	sne.s32 s0, $0x0;
	s0 =	rddreg [dreg:$0x3]  }
0x51: {  	s0 =	sadd.s32 @!p0 $0x100000, s0  }
0x52: {  	[sflag:s0] =	ssyncadd.tile.s32 @!p0 $0x1;
	_ =	shalt  }
.Lfunc_end2:
_tile_overlayer_lowered:
.L_overlay_start_2:
0x53: {  	(tag) =	ssettag $0x2  }
0x54: {  	s0 =	rddreg [dreg:$0x0];
	s2 =	stileid.u32  }
0x55: {  	s1 =	rddreg [dreg:$0x1];
	p0 =	sne.s32 s2, $0x0  }
0x56: {  	s3 =	rddreg [dreg:$0x2];
	[bflag:$0x3] =	sbarrier.arrive $0xFFFF;
	s2 =	simm.s32 @!p0 $0x1C09  }
0x57: {  	[timem:s3], [sflag:s2] =	dma.local @!p0 [hbm:s0], s1  }
0x58: {  	s0 =	simm.s32 @!p0 $0x9  }
0x59: {  	_ =	swait.ge @!p0 [sflag:s0], s1  }
0x5a: {  	s1 =	ssub.s32 @!p0 $0x0, s1;
	[sflag:s0] =	ssyncset.done @!p0 $0x0  }
0x5b: {  	[sflag:s0] =	ssyncadd.s32 @!p0 s1  }
0x5c: {  	[bflag:$0x3] =	sbarrier.arrive $0xFFFF  }
0x5d: {  	_ =	shalt  }

</sc_bundles>
